<compile_context>
chip_gen: v7x
topology: tpu7x:2x2x1
jax: 0.10.2.dev20260603
libtpu: 0.0.44.dev20260713+nightly
codegen_flags: <defaults>
</compile_context>

<pallas_src>
import jax
import jax.numpy as jnp
from jax import lax
from jax.experimental import pallas as pl
from jax.experimental.pallas import tpu as pltpu
from jax.experimental.pallas import tpu_sc as plsc

_R = 256
_C = 224
_K = 50
_NC = 2
_NS = 16
_NW = _NC * _NS
_RPW = _R // _NW
_L = 16
_XW = _RPW * _C
_OW = _RPW * _K
_NCHUNK = _OW // _L

def _body(x_hbm, a_hbm, out_hbm, x_v, a_v, o_v, sem_x, sem_a):
    wid = lax.axis_index("c") * _NS + lax.axis_index("s")
    xbase = wid * _XW
    obase = wid * _OW
    half = _XW // 2
    cp_a = pltpu.async_copy(a_hbm.at[pl.ds(obase, _OW)], a_v, sem_a)
    cp_x1 = pltpu.async_copy(
        x_hbm.at[pl.ds(xbase, half)], x_v.at[pl.ds(0, half)], sem_x)
    cp_x2 = pltpu.async_copy(
        x_hbm.at[pl.ds(xbase + half, half)], x_v.at[pl.ds(half, half)], sem_x)
    lanes = lax.iota(jnp.int32, _L)

    cp_a.wait()
    cp_x1.wait()

    @plsc.parallel_loop(0, 12 * _L, step=_L, unroll=4)
    def _(p):
        idx = a_v[pl.ds(p, _L)]
        g = ((lanes + p) // _K) * _C + idx
        o_v[pl.ds(p, _L)] = plsc.load_gather(x_v, [g])

    cp_x2.wait()

    @plsc.parallel_loop(12 * _L, _NCHUNK * _L, step=_L, unroll=4)
    def _(p):
        idx = a_v[pl.ds(p, _L)]
        g = ((lanes + p) // _K) * _C + idx
        o_v[pl.ds(p, _L)] = plsc.load_gather(x_v, [g])
    pltpu.sync_copy(o_v, out_hbm.at[pl.ds(obase, _OW)])


@jax.jit
def _gather(xf, af):
    mesh = plsc.VectorSubcoreMesh(
        core_axis_name="c", subcore_axis_name="s",
        num_cores=_NC, num_subcores=_NS,
    )
    return pl.kernel(
        _body,
        out_type=jax.ShapeDtypeStruct((_R * _K,), jnp.float32),
        mesh=mesh,
        scratch_types=[
            pltpu.VMEM((_XW,), jnp.float32),
            pltpu.VMEM((_OW,), jnp.int32),
            pltpu.VMEM((_OW,), jnp.float32),
            pltpu.SemaphoreType.DMA,
            pltpu.SemaphoreType.DMA,
        ],
        compiler_params=pltpu.CompilerParams(needs_layout_passes=False),
    )(xf, af)


def kernel(x, a):
    xf = x.reshape(_R * _C)
    af = a.reshape(_R * _K)
    out = _gather(xf, af)
    return out.reshape(1, _R, _K)

# --- scband reference (transcript-rebuilt; emitter-appended) ---
"""Pipeline reference for scband-mb-83116207112733 (READ-ONLY COPY).

The authoritative reference and input builder live on the scoring server;
editing this copy changes nothing except your own understanding.
"""

import jax, jax.numpy as jnp
import numpy as np


def setup_inputs(seed: int = 0) -> dict:
    key = jax.random.key(seed)
    kx, ka = jax.random.split(key)
    x = jax.random.normal(kx, (1, 256, 224), dtype=jnp.float32)
    # The torch module creates this index tensor inside forward with torch.randint;
    # we materialize it deterministically here and pass it in for reproducibility.
    a = jax.random.randint(ka, (1, 256, 50), 0, 224, dtype=jnp.int32)
    return {"x": x, "a": a}


def reference(x, a):
    # Custom gather along dim=2: out[i, j, k] = x[i, j, a[i, j, k]]
    # This is exactly jnp.take_along_axis on axis 2 (index ndim == input ndim,
    # non-gather dims of the index match leading dims of x).
    out = jnp.take_along_axis(x, a, axis=2)
    return out

if __name__ == "__main__":
    import jax
    _d = setup_inputs()
    print(jax.jit(kernel)(*tuple(_d.values())))

</pallas_src>

<mosaic_0001>
#map = affine_map<(d0, d1) -> (0)>
module attributes {stable_mosaic.version = 14 : i64} {
  func.func @_body(%arg0: i32, %arg1: i32, %arg2: memref<57344xf32, #tpu.memory_space<hbm>>, %arg3: memref<12800xi32, #tpu.memory_space<hbm>>, %arg4: memref<12800xf32, #tpu.memory_space<hbm>>, %arg5: memref<1792xf32, #tpu.memory_space<vmem>>, %arg6: memref<400xi32, #tpu.memory_space<vmem>>, %arg7: memref<400xf32, #tpu.memory_space<vmem>>, %arg8: memref<!tpu.dma_semaphore, #tpu.memory_space<semaphore_mem>>, %arg9: memref<!tpu.dma_semaphore, #tpu.memory_space<semaphore_mem>>) attributes {dimension_semantics = [#tpu.dimension_semantics<core_parallel>, #tpu.dimension_semantics<subcore_parallel>], iteration_bounds = array<i64: 2, 16>, scalar_prefetch = 0 : i64, scratch_operands = 5 : i64, tpu.core_type = #tpu.core_type<sc_vector_subcore>, window_params = [{transform_indices = #map}, {transform_indices = #map}, {transform_indices = #map}]} {
    %mul3A = arith.constant 16 : i32
    %mul3A_0 = arith.muli %arg0, %mul3A : i32
    %add3A = arith.addi %mul3A_0, %arg1 : i32
    %mul3A_1 = arith.constant 1792 : i32
    %mul3A_2 = arith.muli %add3A, %mul3A_1 : i32
    %mul3A_3 = arith.constant 400 : i32
    %mul3A_4 = arith.muli %add3A, %mul3A_3 : i32
    %dma_start3A = tpu.memref_slice %arg3[%mul3A_4] : memref<12800xi32, #tpu.memory_space<hbm>> -> memref<400xi32, #tpu.memory_space<hbm>>
    %dma_start3A_5 = tpu.memref_slice %arg3[%mul3A_4] : memref<12800xi32, #tpu.memory_space<hbm>> -> memref<400xi32, #tpu.memory_space<hbm>>
    tpu.enqueue_dma source(%dma_start3A_5 : memref<400xi32, #tpu.memory_space<hbm>>) target(%arg6 : memref<400xi32, #tpu.memory_space<vmem>>) target_semaphore(%arg9 : memref<!tpu.dma_semaphore, #tpu.memory_space<semaphore_mem>>)
    %dma_start3A_6 = arith.constant 0 : i32
    %dma_start3A_7 = tpu.memref_slice %arg5[%dma_start3A_6] : memref<1792xf32, #tpu.memory_space<vmem>> -> memref<896xf32, #tpu.memory_space<vmem>>
    %dma_start3A_8 = tpu.memref_slice %arg2[%mul3A_2] : memref<57344xf32, #tpu.memory_space<hbm>> -> memref<896xf32, #tpu.memory_space<hbm>>
    %dma_start3A_9 = arith.constant 0 : i32
    %dma_start3A_10 = tpu.memref_slice %arg5[%dma_start3A_9] : memref<1792xf32, #tpu.memory_space<vmem>> -> memref<896xf32, #tpu.memory_space<vmem>>
    %dma_start3A_11 = tpu.memref_slice %arg2[%mul3A_2] : memref<57344xf32, #tpu.memory_space<hbm>> -> memref<896xf32, #tpu.memory_space<hbm>>
    tpu.enqueue_dma source(%dma_start3A_11 : memref<896xf32, #tpu.memory_space<hbm>>) target(%dma_start3A_10 : memref<896xf32, #tpu.memory_space<vmem>>) target_semaphore(%arg8 : memref<!tpu.dma_semaphore, #tpu.memory_space<semaphore_mem>>)
    %add3A_12 = arith.constant 896 : i32
    %add3A_13 = arith.addi %mul3A_2, %add3A_12 : i32
    %dma_start3A_14 = arith.constant 896 : i32
    %dma_start3A_15 = tpu.memref_slice %arg5[%dma_start3A_14] : memref<1792xf32, #tpu.memory_space<vmem>> -> memref<896xf32, #tpu.memory_space<vmem>>
    %dma_start3A_16 = tpu.memref_slice %arg2[%add3A_13] : memref<57344xf32, #tpu.memory_space<hbm>> -> memref<896xf32, #tpu.memory_space<hbm>>
    %dma_start3A_17 = arith.constant 896 : i32
    %dma_start3A_18 = tpu.memref_slice %arg5[%dma_start3A_17] : memref<1792xf32, #tpu.memory_space<vmem>> -> memref<896xf32, #tpu.memory_space<vmem>>
    %dma_start3A_19 = tpu.memref_slice %arg2[%add3A_13] : memref<57344xf32, #tpu.memory_space<hbm>> -> memref<896xf32, #tpu.memory_space<hbm>>
    tpu.enqueue_dma source(%dma_start3A_19 : memref<896xf32, #tpu.memory_space<hbm>>) target(%dma_start3A_18 : memref<896xf32, #tpu.memory_space<vmem>>) target_semaphore(%arg8 : memref<!tpu.dma_semaphore, #tpu.memory_space<semaphore_mem>>)
    %iota3A = tpu.iota {dimensions = array<i32: 0>} : vector<16xi32>
    %dma_wait3A = tpu.memref_slice %arg3[%mul3A_4] : memref<12800xi32, #tpu.memory_space<hbm>> -> memref<400xi32, #tpu.memory_space<hbm>>
    %dma_wait3A_20 = tpu.memref_slice %arg3[%mul3A_4] : memref<12800xi32, #tpu.memory_space<hbm>> -> memref<400xi32, #tpu.memory_space<hbm>>
    tpu.wait_dma2 semaphore(%arg9 : memref<!tpu.dma_semaphore, #tpu.memory_space<semaphore_mem>>) src(%dma_wait3A_20 : memref<400xi32, #tpu.memory_space<hbm>>) dst(%arg6 : memref<400xi32, #tpu.memory_space<vmem>>)
    %dma_wait3A_21 = arith.constant 0 : i32
    %dma_wait3A_22 = tpu.memref_slice %arg5[%dma_wait3A_21] : memref<1792xf32, #tpu.memory_space<vmem>> -> memref<896xf32, #tpu.memory_space<vmem>>
    %dma_wait3A_23 = tpu.memref_slice %arg2[%mul3A_2] : memref<57344xf32, #tpu.memory_space<hbm>> -> memref<896xf32, #tpu.memory_space<hbm>>
    %dma_wait3A_24 = arith.constant 0 : i32
    %dma_wait3A_25 = tpu.memref_slice %arg5[%dma_wait3A_24] : memref<1792xf32, #tpu.memory_space<vmem>> -> memref<896xf32, #tpu.memory_space<vmem>>
    %dma_wait3A_26 = tpu.memref_slice %arg2[%mul3A_2] : memref<57344xf32, #tpu.memory_space<hbm>> -> memref<896xf32, #tpu.memory_space<hbm>>
    tpu.wait_dma2 semaphore(%arg8 : memref<!tpu.dma_semaphore, #tpu.memory_space<semaphore_mem>>) src(%dma_wait3A_26 : memref<896xf32, #tpu.memory_space<hbm>>) dst(%dma_wait3A_25 : memref<896xf32, #tpu.memory_space<vmem>>)
    %parallel_loop3A = arith.constant 0 : i32
    %parallel_loop3A_27 = arith.constant 192 : i32
    %parallel_loop3A_28 = arith.constant 16 : i32
    scf.for %parallel_loop3A_38 = %parallel_loop3A to %parallel_loop3A_27 step %parallel_loop3A_28  : i32 {
      %parallel_loop3A_39 = arith.index_cast %parallel_loop3A_38 : i32 to index
      %parallel_loop3A_40 = tpu.vector_load %arg6[%parallel_loop3A_39] {strides = array<i32>} : memref<400xi32, #tpu.memory_space<vmem>>, vector<16xi32>,
      %parallel_loop3A_41 = vector.broadcast %parallel_loop3A_38 : i32 to vector<16xi32>
      %parallel_loop3A_42 = arith.addi %iota3A, %parallel_loop3A_41 : vector<16xi32>
      %parallel_loop3A_43 = arith.constant 50 : i32
      %parallel_loop3A_44 = vector.broadcast %parallel_loop3A_43 : i32 to vector<16xi32>
      %parallel_loop3A_45 = arith.divsi %parallel_loop3A_42, %parallel_loop3A_44 : vector<16xi32>
      %parallel_loop3A_46 = arith.constant 0 : i32
      %parallel_loop3A_47 = vector.broadcast %parallel_loop3A_46 : i32 to vector<16xi32>
      %parallel_loop3A_48 = arith.cmpi sgt, %parallel_loop3A_42, %parallel_loop3A_47 : vector<16xi32>
      %parallel_loop3A_49 = arith.extui %parallel_loop3A_48 : vector<16xi1> to vector<16xi32>
      %parallel_loop3A_50 = arith.constant 0 : i32
      %parallel_loop3A_51 = vector.broadcast %parallel_loop3A_50 : i32 to vector<16xi32>
      %parallel_loop3A_52 = arith.cmpi slt, %parallel_loop3A_42, %parallel_loop3A_51 : vector<16xi32>
      %parallel_loop3A_53 = arith.extui %parallel_loop3A_52 : vector<16xi1> to vector<16xi32>
      %parallel_loop3A_54 = arith.subi %parallel_loop3A_49, %parallel_loop3A_53 : vector<16xi32>
      %parallel_loop3A_55 = arith.constant 0 : i32
      %parallel_loop3A_56 = arith.cmpi sgt, %parallel_loop3A_43, %parallel_loop3A_55 : i32
      %parallel_loop3A_57 = arith.extui %parallel_loop3A_56 : i1 to i32
      %parallel_loop3A_58 = arith.constant 0 : i32
      %parallel_loop3A_59 = arith.cmpi slt, %parallel_loop3A_43, %parallel_loop3A_58 : i32
      %parallel_loop3A_60 = arith.extui %parallel_loop3A_59 : i1 to i32
      %parallel_loop3A_61 = arith.subi %parallel_loop3A_57, %parallel_loop3A_60 : i32
      %parallel_loop3A_62 = vector.broadcast %parallel_loop3A_61 : i32 to vector<16xi32>
      %parallel_loop3A_63 = arith.cmpi ne, %parallel_loop3A_54, %parallel_loop3A_62 : vector<16xi32>
      %parallel_loop3A_64 = vector.broadcast %parallel_loop3A_43 : i32 to vector<16xi32>
      %parallel_loop3A_65 = arith.remsi %parallel_loop3A_42, %parallel_loop3A_64 : vector<16xi32>
      %parallel_loop3A_66 = arith.constant 0 : i32
      %parallel_loop3A_67 = vector.broadcast %parallel_loop3A_66 : i32 to vector<16xi32>
      %parallel_loop3A_68 = arith.cmpi ne, %parallel_loop3A_65, %parallel_loop3A_67 : vector<16xi32>
      %parallel_loop3A_69 = arith.andi %parallel_loop3A_63, %parallel_loop3A_68 : vector<16xi1>
      %parallel_loop3A_70 = arith.constant 1 : i32
      %parallel_loop3A_71 = vector.broadcast %parallel_loop3A_70 : i32 to vector<16xi32>
      %parallel_loop3A_72 = arith.subi %parallel_loop3A_45, %parallel_loop3A_71 : vector<16xi32>
      %parallel_loop3A_73 = arith.select %parallel_loop3A_69, %parallel_loop3A_72, %parallel_loop3A_45 : vector<16xi1>, vector<16xi32>
      %parallel_loop3A_74 = arith.constant 224 : i32
      %parallel_loop3A_75 = vector.broadcast %parallel_loop3A_74 : i32 to vector<16xi32>
      %parallel_loop3A_76 = arith.muli %parallel_loop3A_73, %parallel_loop3A_75 : vector<16xi32>
      %parallel_loop3A_77 = arith.addi %parallel_loop3A_76, %parallel_loop3A_40 : vector<16xi32>
      %parallel_loop3A_78 = tpu.vector_load_idx %arg5[%parallel_loop3A_77] : memref<1792xf32, #tpu.memory_space<vmem>>[vector<16xi32>], vector<16xf32>,
      %parallel_loop3A_79 = arith.index_cast %parallel_loop3A_38 : i32 to index
      %parallel_loop3A_80 = tpu.vector_load %arg7[%parallel_loop3A_79] {strides = array<i32>} : memref<400xf32, #tpu.memory_space<vmem>>, vector<16xf32>,
      tpu.vector_store %arg7[%parallel_loop3A_79], %parallel_loop3A_78 {strides = array<i32>} : memref<400xf32, #tpu.memory_space<vmem>>, vector<16xf32>,
    } {sc.loop_unroll_factor = 4 : i64, sc.parallel_access}
    %dma_wait3A_29 = arith.constant 896 : i32
    %dma_wait3A_30 = tpu.memref_slice %arg5[%dma_wait3A_29] : memref<1792xf32, #tpu.memory_space<vmem>> -> memref<896xf32, #tpu.memory_space<vmem>>
    %dma_wait3A_31 = tpu.memref_slice %arg2[%add3A_13] : memref<57344xf32, #tpu.memory_space<hbm>> -> memref<896xf32, #tpu.memory_space<hbm>>
    %dma_wait3A_32 = arith.constant 896 : i32
    %dma_wait3A_33 = tpu.memref_slice %arg5[%dma_wait3A_32] : memref<1792xf32, #tpu.memory_space<vmem>> -> memref<896xf32, #tpu.memory_space<vmem>>
    %dma_wait3A_34 = tpu.memref_slice %arg2[%add3A_13] : memref<57344xf32, #tpu.memory_space<hbm>> -> memref<896xf32, #tpu.memory_space<hbm>>
    tpu.wait_dma2 semaphore(%arg8 : memref<!tpu.dma_semaphore, #tpu.memory_space<semaphore_mem>>) src(%dma_wait3A_34 : memref<896xf32, #tpu.memory_space<hbm>>) dst(%dma_wait3A_33 : memref<896xf32, #tpu.memory_space<vmem>>)
    %parallel_loop3A_35 = arith.constant 192 : i32
    %parallel_loop3A_36 = arith.constant 400 : i32
    %parallel_loop3A_37 = arith.constant 16 : i32
    scf.for %parallel_loop3A_38 = %parallel_loop3A_35 to %parallel_loop3A_36 step %parallel_loop3A_37  : i32 {
      %parallel_loop3A_39 = arith.index_cast %parallel_loop3A_38 : i32 to index
      %parallel_loop3A_40 = tpu.vector_load %arg6[%parallel_loop3A_39] {strides = array<i32>} : memref<400xi32, #tpu.memory_space<vmem>>, vector<16xi32>,
      %parallel_loop3A_41 = vector.broadcast %parallel_loop3A_38 : i32 to vector<16xi32>
      %parallel_loop3A_42 = arith.addi %iota3A, %parallel_loop3A_41 : vector<16xi32>
      %parallel_loop3A_43 = arith.constant 50 : i32
      %parallel_loop3A_44 = vector.broadcast %parallel_loop3A_43 : i32 to vector<16xi32>
      %parallel_loop3A_45 = arith.divsi %parallel_loop3A_42, %parallel_loop3A_44 : vector<16xi32>
      %parallel_loop3A_46 = arith.constant 0 : i32
      %parallel_loop3A_47 = vector.broadcast %parallel_loop3A_46 : i32 to vector<16xi32>
      %parallel_loop3A_48 = arith.cmpi sgt, %parallel_loop3A_42, %parallel_loop3A_47 : vector<16xi32>
      %parallel_loop3A_49 = arith.extui %parallel_loop3A_48 : vector<16xi1> to vector<16xi32>
      %parallel_loop3A_50 = arith.constant 0 : i32
      %parallel_loop3A_51 = vector.broadcast %parallel_loop3A_50 : i32 to vector<16xi32>
      %parallel_loop3A_52 = arith.cmpi slt, %parallel_loop3A_42, %parallel_loop3A_51 : vector<16xi32>
      %parallel_loop3A_53 = arith.extui %parallel_loop3A_52 : vector<16xi1> to vector<16xi32>
      %parallel_loop3A_54 = arith.subi %parallel_loop3A_49, %parallel_loop3A_53 : vector<16xi32>
      %parallel_loop3A_55 = arith.constant 0 : i32
      %parallel_loop3A_56 = arith.cmpi sgt, %parallel_loop3A_43, %parallel_loop3A_55 : i32
      %parallel_loop3A_57 = arith.extui %parallel_loop3A_56 : i1 to i32
      %parallel_loop3A_58 = arith.constant 0 : i32
      %parallel_loop3A_59 = arith.cmpi slt, %parallel_loop3A_43, %parallel_loop3A_58 : i32
      %parallel_loop3A_60 = arith.extui %parallel_loop3A_59 : i1 to i32
      %parallel_loop3A_61 = arith.subi %parallel_loop3A_57, %parallel_loop3A_60 : i32
      %parallel_loop3A_62 = vector.broadcast %parallel_loop3A_61 : i32 to vector<16xi32>
      %parallel_loop3A_63 = arith.cmpi ne, %parallel_loop3A_54, %parallel_loop3A_62 : vector<16xi32>
      %parallel_loop3A_64 = vector.broadcast %parallel_loop3A_43 : i32 to vector<16xi32>
      %parallel_loop3A_65 = arith.remsi %parallel_loop3A_42, %parallel_loop3A_64 : vector<16xi32>
      %parallel_loop3A_66 = arith.constant 0 : i32
      %parallel_loop3A_67 = vector.broadcast %parallel_loop3A_66 : i32 to vector<16xi32>
      %parallel_loop3A_68 = arith.cmpi ne, %parallel_loop3A_65, %parallel_loop3A_67 : vector<16xi32>
      %parallel_loop3A_69 = arith.andi %parallel_loop3A_63, %parallel_loop3A_68 : vector<16xi1>
      %parallel_loop3A_70 = arith.constant 1 : i32
      %parallel_loop3A_71 = vector.broadcast %parallel_loop3A_70 : i32 to vector<16xi32>
      %parallel_loop3A_72 = arith.subi %parallel_loop3A_45, %parallel_loop3A_71 : vector<16xi32>
      %parallel_loop3A_73 = arith.select %parallel_loop3A_69, %parallel_loop3A_72, %parallel_loop3A_45 : vector<16xi1>, vector<16xi32>
      %parallel_loop3A_74 = arith.constant 224 : i32
      %parallel_loop3A_75 = vector.broadcast %parallel_loop3A_74 : i32 to vector<16xi32>
      %parallel_loop3A_76 = arith.muli %parallel_loop3A_73, %parallel_loop3A_75 : vector<16xi32>
      %parallel_loop3A_77 = arith.addi %parallel_loop3A_76, %parallel_loop3A_40 : vector<16xi32>
      %parallel_loop3A_78 = tpu.vector_load_idx %arg5[%parallel_loop3A_77] : memref<1792xf32, #tpu.memory_space<vmem>>[vector<16xi32>], vector<16xf32>,
      %parallel_loop3A_79 = arith.index_cast %parallel_loop3A_38 : i32 to index
      %parallel_loop3A_80 = tpu.vector_load %arg7[%parallel_loop3A_79] {strides = array<i32>} : memref<400xf32, #tpu.memory_space<vmem>>, vector<16xf32>,
      tpu.vector_store %arg7[%parallel_loop3A_79], %parallel_loop3A_78 {strides = array<i32>} : memref<400xf32, #tpu.memory_space<vmem>>, vector<16xf32>,
    } {sc.loop_unroll_factor = 4 : i64, sc.parallel_access}
    "tpu.region"() ({
      %run_scoped3A = tpu.sem_alloc : memref<!tpu.dma_semaphore, #tpu.memory_space<semaphore_mem>>
      %dma_start3A_38 = tpu.memref_slice %arg4[%mul3A_4] : memref<12800xf32, #tpu.memory_space<hbm>> -> memref<400xf32, #tpu.memory_space<hbm>>
      %dma_start3A_39 = tpu.memref_slice %arg4[%mul3A_4] : memref<12800xf32, #tpu.memory_space<hbm>> -> memref<400xf32, #tpu.memory_space<hbm>>
      tpu.enqueue_dma source(%arg7 : memref<400xf32, #tpu.memory_space<vmem>>) target(%dma_start3A_39 : memref<400xf32, #tpu.memory_space<hbm>>) target_semaphore(%run_scoped3A : memref<!tpu.dma_semaphore, #tpu.memory_space<semaphore_mem>>)
      %dma_wait3A_40 = tpu.memref_slice %arg4[%mul3A_4] : memref<12800xf32, #tpu.memory_space<hbm>> -> memref<400xf32, #tpu.memory_space<hbm>>
      %dma_wait3A_41 = tpu.memref_slice %arg4[%mul3A_4] : memref<12800xf32, #tpu.memory_space<hbm>> -> memref<400xf32, #tpu.memory_space<hbm>>
      tpu.wait_dma2 semaphore(%run_scoped3A : memref<!tpu.dma_semaphore, #tpu.memory_space<semaphore_mem>>) src(%arg7 : memref<400xf32, #tpu.memory_space<vmem>>) dst(%dma_wait3A_41 : memref<400xf32, #tpu.memory_space<hbm>>)
      tpu.yield
    }) : () -> ()
    return
  }
}

</mosaic_0001>

<sc_bundles>
// kernel: _gather.3.cloned.1.call-start
scs
__scs_entry_jumppad:
0x0: {  	(pc) =	sbr.rel $0x88, $3  }
0x1: {  	(tag) =	ssettag $0x0;
	lr =	simm.s32 $0x1  }
0x2: {  	[smem:$0x3F9F] =	sst lr;
	_ =	strace $0xD0000000  }
0x3: {  	_ = 	snop  }
0x4: {  	_ = 	snop  }
0x5: {  	_ = 	snop  }
0x6: {  	_ = 	snop  }
0x7: {  	_ = 	snop  }
__scs_overlays_trampoline_lowered:
0x8: {  	[smem:$0x3FAE] =	sst s0  }
0x9: {  	[smem:$0x3FAF] =	sst s1  }
0xa: {  	[smem:$0x3FB0] =	sst s2  }
0xb: {  	[smem:$0x3FB1] =	sst s3  }
0xc: {  	[smem:$0x3FB2] =	sst s4  }
0xd: {  	[smem:$0x3FB3] =	sst s5  }
0xe: {  	[smem:$0x3FB4] =	sst s6  }
0xf: {  	[smem:$0x3FB5] =	sst s7  }
0x10: {  	[smem:$0x3FB6] =	sst s8  }
0x11: {  	[smem:$0x3FB7] =	sst s9;
	s0 =	simm.s32 @!p0 $0x0  }
0x12: {  	s1 =	sld [smem:$0x3F9D];
	s0 =	simm.s32 @p0 $0x1  }
0x13: {  	[smem:$0x3FB8] =	sst s0;
	s0 =	simm.s32 @!p1 $0x0  }
0x14: {  	s2 =	sld [smem:$0x3F9C];
	s0 =	simm.s32 @p1 $0x1  }
0x15: {  	[smem:$0x3FB9] =	sst s0;
	s0 =	simm.s32 @!p2 $0x0  }
0x16: {  	s3 =	sld [smem:$0x3FDB];
	s0 =	simm.s32 @p2 $0x1  }
0x17: {  	s4 =	simm.s32 $0x1BF5;
	[smem:$0x3FBB] =	sst s0  }
0x18: {  	s0 =	sld [smem:$0x3F9E];
	_ =	swait.ge [sflag:s4], $0x0  }
0x19: {  	s7 =	sld [smem:$0x3F9F]  }
0x1a: {  	s8 =	sadd.s32 $0xFFFFE003, lr  }
0x1b: {  	s9 =	sadd.s32 $0xFFFFFEF7, lr;
	s5 =	simm.s32 $0xFFFFFFFF;
	p2 =	slt.u32 s8, $0xFFFFF086  }
0x1c: {  	p1 =	slt.u32 s9, $0xF7A;
	s5 =	simm.s32 @!p2 $0x0  }
0x1d: {  	s5 =	simm.s32 @p1 $0x1;
	p0 =	seq.s32 s7, s2  }
0x1e: {  	s7 =	smul.u32 @!p0 $0xF7A, s2;
	p2 =	seq.s32 @!p0 s5, $0x0  }
0x1f: {  	s9 =	smul.u32 $0xF7A, s1;
	s8 =	simm.s32 @!p0 $0x1BF5;
	p2 =	por !p2, p0  }
0x20: {  	[sflag:s8] =	ssyncset.s32 @!p0 $0xFFFFF086;
	s6 =	sadd.s32 @!p0 s3, s7;
	s7 =	simm.s32 @!p0 $0x108  }
0x21: {  	s3 =	sadd.s32 s3, s9;
	s6 =	sadd.s32 @!p0 $0x88, s6;
	s7 =	simm.s32 @p2 $0x1082  }
0x22: {  	[simem:s7], [sflag:s8] =	dma.local @!p0 [hbm:s6], $0xF7A  }
0x23: {  	s9 =	sor.u32 $0xD0000000, s2;
	s6 =	simm.s32 $0x108;
	_ =	swait.ge @!p0 [sflag:s8], $0x0  }
0x24: {  	s3 =	sadd.s32 $0x88, s3;
	s6 =	simm.s32 @!p1 $0x1082;
	[sflag:s4] =	ssyncset.s32 $0xFFFFF086  }
0x25: {  	[simem:s6], [sflag:s4] =	dma.local [hbm:s3], $0xF7A  }
0x26: {  	[smem:$0x3F9F] =	sst s1;
	(tag) =	ssettag s2;
	_ =	strace s9  }
0x27: {  	s1 =	sld [smem:$0x3FAF]  }
0x28: {  	s2 =	sld [smem:$0x3FB0]  }
0x29: {  	s4 =	sld [smem:$0x3FB2]  }
0x2a: {  	p0 =	seq.s32 s5, $0x0;
	s5 =	sld [smem:$0x3FB3]  }
0x2b: {  	s6 =	sld [smem:$0x3FB4]  }
0x2c: {  	s7 =	sld [smem:$0x3FB5]  }
0x2d: {  	s3 =	simm.s32 $0x108;
	s8 =	sld [smem:$0x3FB6]  }
0x2e: {  	s3 =	simm.s32 @!p0 $0x1082;
	s9 =	sld [smem:$0x3FB7]  }
0x2f: {  	lr =	sadd.s32 s0, s3;
	s0 =	sld [smem:$0x3FAE]  }
0x30: {  	s3 =	sld [smem:$0x3FB1]  }
0x31: {  	[smem:$0x3FBA] =	sst s10  }
0x32: {  	s10 =	sld [smem:$0x3FB8];
	_ =	sdelay $0x3  }
0x33: {  	p0 =	seq.s32 s10, $0x1;
	s10 =	sld [smem:$0x3FBA];
	_ =	sdelay $0x3  }
0x34: {  	[smem:$0x3FBA] =	sst s10  }
0x35: {  	s10 =	sld [smem:$0x3FB9];
	_ =	sdelay $0x3  }
0x36: {  	p1 =	seq.s32 s10, $0x1;
	s10 =	sld [smem:$0x3FBA];
	_ =	sdelay $0x3  }
0x37: {  	[smem:$0x3FBA] =	sst s10  }
0x38: {  	s10 =	sld [smem:$0x3FBB]  }
0x39: {  	_ = 	snop;
	(pc) =	sbr.ind lr, $3  }
0x3a: {  	_ = 	snop  }
0x3b: {  	_ = 	snop  }
0x3c: {  	p2 =	seq.s32 s10, $0x1;
	s10 =	sld [smem:$0x3FBA]  }
0x3d: {  	_ =	shalt  }
0x3e: {  	_ =	shalt  }
0x3f: {  	_ =	shalt  }
0x40: {  	_ =	shalt  }
0x41: {  	_ =	shalt  }
0x42: {  	_ =	shalt  }
0x43: {  	_ =	shalt  }
0x44: {  	_ =	shalt  }
0x45: {  	_ =	shalt  }
0x46: {  	_ =	shalt  }
0x47: {  	_ =	shalt  }
0x48: {  	_ =	shalt  }
0x49: {  	_ =	shalt  }
0x4a: {  	_ =	shalt  }
0x4b: {  	_ =	shalt  }
0x4c: {  	_ =	shalt  }
0x4d: {  	_ =	shalt  }
0x4e: {  	_ =	shalt  }
0x4f: {  	_ =	shalt  }
0x50: {  	_ =	shalt  }
0x51: {  	_ =	shalt  }
0x52: {  	_ =	shalt  }
0x53: {  	_ =	shalt  }
0x54: {  	_ =	shalt  }
0x55: {  	_ =	shalt  }
0x56: {  	_ =	shalt  }
0x57: {  	_ =	shalt  }
0x58: {  	_ =	shalt  }
0x59: {  	_ =	shalt  }
0x5a: {  	_ =	shalt  }
0x5b: {  	_ =	shalt  }
0x5c: {  	_ =	shalt  }
0x5d: {  	_ =	shalt  }
0x5e: {  	_ =	shalt  }
0x5f: {  	_ =	shalt  }
0x60: {  	_ =	shalt  }
0x61: {  	_ =	shalt  }
0x62: {  	_ =	shalt  }
0x63: {  	_ =	shalt  }
0x64: {  	_ =	shalt  }
0x65: {  	_ =	shalt  }
0x66: {  	_ =	shalt  }
0x67: {  	_ =	shalt  }
0x68: {  	_ =	shalt  }
0x69: {  	_ =	shalt  }
0x6a: {  	_ =	shalt  }
0x6b: {  	_ =	shalt  }
0x6c: {  	_ =	shalt  }
0x6d: {  	_ =	shalt  }
0x6e: {  	_ =	shalt  }
0x6f: {  	_ =	shalt  }
0x70: {  	_ =	shalt  }
0x71: {  	_ =	shalt  }
0x72: {  	_ =	shalt  }
0x73: {  	_ =	shalt  }
0x74: {  	_ =	shalt  }
0x75: {  	_ =	shalt  }
0x76: {  	_ =	shalt  }
0x77: {  	_ =	shalt  }
0x78: {  	_ =	shalt  }
0x79: {  	_ =	shalt  }
0x7a: {  	_ =	shalt  }
0x7b: {  	_ =	shalt  }
0x7c: {  	_ =	shalt  }
0x7d: {  	_ =	shalt  }
0x7e: {  	_ =	shalt  }
0x7f: {  	_ =	shalt  }
0x80: {  	_ =	shalt  }
0x81: {  	_ =	shalt  }
0x82: {  	_ =	shalt  }
0x83: {  	_ =	shalt  }
0x84: {  	_ =	shalt  }
0x85: {  	_ =	shalt  }
0x86: {  	_ =	shalt  }
0x87: {  	_ =	shalt  }
.Lfunc_end0:
.L_simem_size_0:
called_computation_lowered:
.L_overlay_start_0:
0x88: {  	s2 =	sld [smem:$0x3FD9]  }
0x89: {  	s3 =	sld [smem:$0x3FFE];
	_ =	sdelay $0x1  }
0x8a: {  	s1 =	srdreg.scid  }
0x8b: {  	s0 =	sand.u32 $0x1, s1  }
0x8c: {  	s18 =	sshll.u32 s0, $0xA;
	s2 =	sadd.s32 s3, s2  }
0x8d: {  	s2 =	sadd.s32 s2, s18  }
0x8e: {  	[smem:$0x3FC6] =	sst s2  }
0x8f: {  	_ = 	snop  }
0x90: {  	s2 =	sld [smem:$0x3FC9]  }
0x91: {  	s19 =	sld [smem:$0x3FC8]  }
0x92: {  	s4 =	sld [smem:$0x3FD0];
	(tm) =	ssettm $0x1  }
0x93: {  	s5 =	sld [smem:$0x3FFB];
	_ =	sdelay $0x3  }
0x94: {  	_ =	strace s5  }
0x95: {  	s5 =	sld [smem:$0x3FFC];
	_ =	sdelay $0x3  }
0x96: {  	_ =	strace s5  }
0x97: {  	s5 =	sld [smem:$0x3FFD];
	_ =	sdelay $0x3  }
0x98: {  	_ =	strace s5  }
0x99: {  	_ =	strace $0x8FFFFFFF  }
0x9a: {  	s20 =	sld [smem:$0x3FDB];
	_ =	sdelay $0x1  }
0x9b: {  	s6 =	simm.s32 $_scs_section_size  }
0x9c: {  	s7 =	simm.s32 $_size__tile_overlayer_lowered;
	s8 =	simm.s32 $_tile_overlayer_lowered  }
0x9d: {  	s23 =	simm.s32 $0x1BFF;
	s22 =	sshll.u32 s8, $0x1;
	s5 =	sadd.s32 s6, s20  }
0x9e: {  	s9 =	simm.s32 $0x0;
	s21 =	sshll.u32 s7, $0x1;
	s7 =	sadd.s32 s22, s5  }
0x9f: {  	[timem:s9], [sflag:s23] =	dma.local [hbm:s7], s21  }
0xa0: {  	_ =	swait.ge [sflag:s23], s21  }
0xa1: {  	s6 =	ssub.s32 $0x0, s21;
	[sflag:s23] =	ssyncset.done $0x0  }
0xa2: {  	[sflag:s23] =	ssyncadd.s32 s6;
	_ =	sdelay $0x1  }
0xa3: {  	s24 =	simm.s32 $0x1B8B  }
0xa4: {  	_ =	swait.ge [sflag:s24], $0x1  }
0xa5: {  	[sflag:s24] =	ssyncset.done $0x0  }
0xa6: {  	s25 =	simm.s32 $0x1B8E;
	[sflag:s24] =	ssyncadd.s32 $0xFFFFFFFF  }
0xa7: {  	s26 =	simm.s32 $execute0_lowered;
	[smem:$0x3FD2] =	sst s25  }
0xa8: {  	s6 =	sshll.u32 s26, $0x1;
	_ =	strace $0x80000046;
	[dreg:$0x1] =	wrdreg $0xFFFFFFFF  }
0xa9: {  	s28 =	simm.s32 $_size_execute0_lowered;
	s5 =	sadd.s32 s5, s6;
	[dreg:$0x0] =	wrdreg $0x0  }
0xaa: {  	s6 =	sshll.u32 s28, $0x1;
	[dreg:$0x2] =	wrdreg s5  }
0xab: {  	[dreg:$0x3] =	wrdreg s6  }
0xac: {  	[dreg:$0x4] =	wrdreg $0xC0  }
0xad: {  	_ =	task [dreg:s9], $0x5FFFF  }
0xae: {  	[dreg:$0x1] =	wrdreg $0xFFFFFFFF  }
0xaf: {  	[dreg:$0x0] =	wrdreg $0x60  }
0xb0: {  	[dreg:$0x2] =	wrdreg s2  }
0xb1: {  	[dreg:$0x3] =	wrdreg s19  }
0xb2: {  	[dreg:$0x4] =	wrdreg s4  }
0xb3: {  	[dreg:$0x5] =	wrdreg $0x9  }
0xb4: {  	_ =	task.clear_ibuf [dreg:s9], $0x6FFFF;
	_ =	strace $0x90000046  }
0xb5: {  	s29 =	simm.s32 $0x9;
	_ =	strace $0x80000048  }
0xb6: {  	_ =	swait.ge [sflag:s29], $0x1  }
0xb7: {  	[sflag:s29] =	ssyncadd.s32 $0xFFFFFFFF  }
0xb8: {  	_ =	strace $0x90000048  }
0xb9: {  	_ =	sfence  }
0xba: {  	s30 =	sld [smem:$0x0];
	_ =	sdelay $0x2  }
0xbb: {  	s31 =	sshll.u32 s1, $0xD;
	s1 =	sshrl.u32 s1, $0x2  }
0xbc: {  	s3 =	sand.u32 $0x4000, s31;
	s1 =	sadd.s32 s1, s30  }
0xbd: {  	s0 =	sor.u32 s3, s0;
	s1 =	sshll.u32 s1, $0x11  }
0xbe: {  	s0 =	sor.u32 s1, s0  }
0xbf: {  	s0 =	sadd.s32 $0x8F2B, s0  }
0xc0: {  	[sflag:s0] =	ssyncadd.remote.s32 $0x1  }
0xc1: {  	_ =	sfence.sel $0xFFFF  }
0xc2: {  	[dreg:$0x0] =	wrdreg $0xFFFFFFFF;
	(pc) =	sbr.abs _section_cstart, $3  }
0xc3: {  	[dreg:$0x1] =	wrdreg $0xFFFFFFFF  }
0xc4: {  	_ =	task.clear_ibuf [dreg:s9], $0x2FFFF;
	_ =	strace $0x9FFFFFFF  }
0xc5: {  	(tm) =	ssettm $0x7FFFFFFF  }
tec
execute0_lowered:
.L_overlay_start_1:
0x0: {  	(tag) =	ssettag $0x1  }
0x1: {  	s3 =	rddreg [dreg:$0x0]  }
0x2: {  	s0 =	srdreg.scid;
	s5 =	rddreg [dreg:$0x1]  }
0x3: {  	s6 =	rddreg [dreg:$0x2];
	s2 =	simm.s32 $0x0;
	s10 =	simm.s32 $0x2  }
0x4: {  	s11 =	simm.s32 $0x1;
	s12 =	simm.s32 $0x900;
	s4 =	sand.u32 $0x1, s0  }
0x5: {  	s13 =	simm.s32 $0x3;
	s0 =	stileid.u32;
	s1 =	sshll.u32 s4, $0x4  }
0x6: {  	s14 =	simm.s32 $0x0;
	[smem:$0x7FF] =	sst s2;
	s7 =	sor.u32 s0, s1  }
0x7: {  	s4 =	ssub.s32 $0x2, s4;
	s1 =	rddreg [dreg:$0x3];
	s8 =	smul.u32 $0x700, s7  }
0x8: {  	_ =	strace $0x80000047;
	s9 =	sshrl.u32 s4, $0x1;
	s7 =	smul.u32 $0x32, s7  }
0x9: {  	s31 =	ssub.s32 s4, s9;
	s9 =	simm.s32 $0x380;
	s8 =	sshrl.u32 s8, $0x3  }
0xa: {  	v0 =	vlaneseq.u32;
	s4 =	sadd.s32 s5, s7;
	s6 =	sadd.s32 s6, s7;
	s3 =	sadd.s32 s3, s8  }
0xb: {  	v2 =	vimm.s32 $0x0;
	v1 =	vmul.u32 $0xFFFFFFFF, v0;
	s7 =	smax.u32 s31, $0x1;
	s8 =	simm.s32 $0x700;
	s5 =	sadd.s32 $0x70, s3  }
.LBB2_1:
0xc: {  	[tilespmem:s8], [sflag:$0x2] =	stream.linear.gather [hbm4b:s4+s2], $0x190, $0x38;
	[tilespmem:$0xB00] =	vst v63  }
0xd: {  	_ = 	snop  }
0xe: {  	[tilespmem:s2], [sflag:$0x1] =	stream.linear.gather [hbm4b:s3+s2], $0x380, $0x38;
	[tilespmem:$0xB00] =	vst v63  }
0xf: {  	_ = 	snop  }
0x10: {  	[tilespmem:s9], [sflag:$0x1] =	stream.linear.gather [hbm4b:s5+s2], $0x380, $0x38;
	[tilespmem:$0xB00] =	vst v63  }
0x11: {  	v3 =	vor.u32 s2, v0;
	_ =	swait.ge [sflag:s10], $0x190  }
0x12: {  	v3 =	vmulhi.u32 $0x51EB851F, v3;
	[sflag:s10] =	ssyncset.done $0x0  }
0x13: {  	[sflag:s10] =	ssyncadd.s32 $0xFFFFFE70  }
0x14: {  	v3 =	vshrl.u32 v3, $0x4;
	_ =	swait.ge [sflag:s11], $0x380  }
0x15: {  	v4 =	vmov s2;
	s16 =	simm.s32 $0x30;
	v5 =	vmul.u32 $0xFFFFFFCE, v3;
	[sflag:s11] =	ssyncset.done $0x0  }
0x16: {  	s15 =	simm.s32 $0x720;
	s31 =	simm.s32 $0x10;
	v6 =	vsub.s32 v1, v4;
	v7 =	vor.u32 s16, v0;
	vm0 =	veq.s32 v4, v0;
	[sflag:s11] =	ssyncadd.s32 $0xFFFFFC80  }
0x17: {  	v8 =	vor.u32 s31, v0;
	vm1 =	vne.s32 v5, v6;
	v5 =	vmulhi.u32 $0x51EB851F, v7;
	v4 =	vld [tilespmem:s15+$0x10]  }
0x18: {  	s17 =	simm.s32 $0x20;
	v8 =	vmulhi.u32 $0x51EB851F, v8;
	vm0 =	vmand vm0, vm1;
	v6 =	vld [tilespmem:s15+$0xFFFFFFE0]  }
0x19: {  	v7 =	vor.u32 s17, v0;
	v9 =	vsel vm0, $0xFFFFFFFF, v2;
	v5 =	vshrl.u32 v5, $0x4;
	v10 =	vld [tilespmem:s15+$0xFFFFFFF0]  }
0x1a: {  	v7 =	vmulhi.u32 $0x51EB851F, v7;
	v3 =	vadd.s32 v9, v3;
	v5 =	vmul.u32 $0xE0, v5;
	v63 =	vld [tilespmem:s15+$0x0]  }
0x1b: {  	v8 =	vshrl.u32 v8, $0x4;
	v3 =	vmul.u32 $0xE0, v3  }
0x1c: {  	v8 =	vmul.u32 $0xE0, v8;
	v7 =	vshrl.u32 v7, $0x4;
	v4 =	vadd.s32 v5, v4  }
0x1d: {  	v5 =	vmul.u32 $0xE0, v7;
	v3 =	vadd.s32 v3, v6  }
0x1e: {  	v7 =	vadd.s32 v8, v10  }
0x1f: {  	v8 =	vadd.s32 v5, v63;
	_ =	sdelay $0x1  }
0x20: {  	v6 =	vld.idx.msk [tilespmem:v4+s2+$0x0], $0xffff  }
0x21: {  	v5 =	vld.idx.msk [tilespmem:v3+s2+$0x0], $0xffff  }
0x22: {  	v3 =	vld.idx.msk [tilespmem:v7+s2+$0x0], $0xffff  }
0x23: {  	s18 =	simm.s32 $0x920;
	s16 =	simm.s32 $0x920;
	s17 =	simm.s32 $0x40;
	v4 =	vld.idx.msk [tilespmem:v8+s2+$0x0], $0xffff  }
.LBB2_2:
0x24: {  	_ = 	snop  }
0x25: {  	p0 =	slt.u32 s17, $0x80;
	s18 =	sadd.s32 $0x40, s18;
	s15 =	sadd.s32 $0x40, s15;
	[tilespmem:s16+$0x10] =	vst v6  }
0x26: {  	s19 =	smov.u32 s17;
	v6 =	vor.u32 s17, v0;
	s17 =	sadd.s32 $0x40, s17;
	[tilespmem:s16+$0xFFFFFFE0] =	vst v5  }
0x27: {  	v5 =	vmulhi.u32 $0x51EB851F, v6;
	[tilespmem:s16+$0xFFFFFFF0] =	vst v3  }
0x28: {  	[tilespmem:s16+$0x0] =	vst v4;
	s16 =	smov.u32 s18  }
0x29: {  	v3 =	vshrl.u32 v5, $0x4  }
0x2a: {  	v4 =	vmov s19;
	v5 =	vmul.u32 $0xFFFFFFCE, v3  }
0x2b: {  	s20 =	sadd.s32 $0x10, s19;
	s21 =	sadd.s32 $0x20, s19;
	s19 =	sadd.s32 $0x30, s19;
	v6 =	vsub.s32 v1, v4  }
0x2c: {  	vm0 =	veq.s32 v4, v0;
	v4 =	vor.u32 s19, v0;
	vm1 =	vne.s32 v5, v6;
	v7 =	vld [tilespmem:s15+$0xFFFFFFE0]  }
0x2d: {  	v4 =	vmulhi.u32 $0x51EB851F, v4;
	v5 =	vor.u32 s21, v0;
	vm0 =	vmand vm0, vm1;
	v6 =	vld [tilespmem:s15+$0x10]  }
0x2e: {  	v9 =	vor.u32 s20, v0;
	v5 =	vmulhi.u32 $0x51EB851F, v5;
	v8 =	vsel vm0, $0xFFFFFFFF, v2;
	v10 =	vld [tilespmem:s15+$0x0]  }
0x2f: {  	v9 =	vmulhi.u32 $0x51EB851F, v9;
	v4 =	vshrl.u32 v4, $0x4;
	v3 =	vadd.s32 v8, v3;
	v8 =	vld [tilespmem:s15+$0xFFFFFFF0]  }
0x30: {  	v4 =	vmul.u32 $0xE0, v4;
	v5 =	vshrl.u32 v5, $0x4;
	v3 =	vmul.u32 $0xE0, v3  }
0x31: {  	v9 =	vshrl.u32 v9, $0x4;
	v5 =	vmul.u32 $0xE0, v5  }
0x32: {  	v3 =	vadd.s32 v3, v7;
	v7 =	vmul.u32 $0xE0, v9;
	v4 =	vadd.s32 v4, v6  }
0x33: {  	v9 =	vadd.s32 v5, v10  }
0x34: {  	v7 =	vadd.s32 v7, v8;
	_ =	sdelay $0x1  }
.Ltmp0:
0x35: {  	(pc) =	sbr.rel @p0 .LBB2_2-.Ltmp0, $4  }
0x36: {  	v6 =	vld.idx.msk [tilespmem:v4+s2+$0x0], $0xffff  }
0x37: {  	v5 =	vld.idx.msk [tilespmem:v3+s2+$0x0], $0xffff  }
0x38: {  	v3 =	vld.idx.msk [tilespmem:v7+s2+$0x0], $0xffff  }
0x39: {  	v4 =	vld.idx.msk [tilespmem:v9+s2+$0x0], $0xffff  }
0x3a: {  	_ = 	snop  }
0x3b: {  	[tilespmem:s16+$0x10] =	vst v6  }
0x3c: {  	[tilespmem:s16+$0xFFFFFFE0] =	vst v5  }
0x3d: {  	[tilespmem:s16+$0xFFFFFFF0] =	vst v3  }
0x3e: {  	[tilespmem:s16+$0x0] =	vst v4  }
0x3f: {  	_ =	swait.ge [sflag:s11], $0x380  }
0x40: {  	s29 =	simm.s32 $0xC0;
	[sflag:s11] =	ssyncset.done $0x0  }
0x41: {  	s15 =	simm.s32 $0x7F0;
	s30 =	simm.s32 $0xF0;
	v3 =	vor.u32 s29, v0;
	[sflag:s11] =	ssyncadd.s32 $0xFFFFFC80  }
0x42: {  	s17 =	simm.s32 $0xE0;
	v5 =	vor.u32 s30, v0;
	v3 =	vmulhi.u32 $0x51EB851F, v3;
	v4 =	vld [tilespmem:s15+$0xFFFFFFD0]  }
0x43: {  	s31 =	simm.s32 $0xD0;
	v6 =	vor.u32 s17, v0;
	v5 =	vmulhi.u32 $0x51EB851F, v5;
	v7 =	vld [tilespmem:s15+$0x0]  }
0x44: {  	v8 =	vor.u32 s31, v0;
	v6 =	vmulhi.u32 $0x51EB851F, v6;
	v3 =	vshrl.u32 v3, $0x4;
	v9 =	vld [tilespmem:s15+$0xFFFFFFF0]  }
0x45: {  	v8 =	vmulhi.u32 $0x51EB851F, v8;
	v5 =	vshrl.u32 v5, $0x4;
	v3 =	vmul.u32 $0xE0, v3;
	v10 =	vld [tilespmem:s15+$0xFFFFFFE0]  }
0x46: {  	v6 =	vshrl.u32 v6, $0x4;
	v5 =	vmul.u32 $0xE0, v5  }
0x47: {  	v6 =	vmul.u32 $0xE0, v6;
	v3 =	vadd.s32 v3, v4;
	v4 =	vshrl.u32 v8, $0x4  }
0x48: {  	v5 =	vadd.s32 v5, v7;
	v4 =	vmul.u32 $0xE0, v4  }
0x49: {  	v7 =	vadd.s32 v6, v9  }
0x4a: {  	v4 =	vadd.s32 v4, v10;
	_ =	sdelay $0x1  }
0x4b: {  	v6 =	vld.idx.msk [tilespmem:v3+s2+$0x0], $0xffff  }
0x4c: {  	v5 =	vld.idx.msk [tilespmem:v5+s2+$0x0], $0xffff  }
0x4d: {  	v3 =	vld.idx.msk [tilespmem:v7+s2+$0x0], $0xffff  }
0x4e: {  	s18 =	simm.s32 $0x9F0;
	s17 =	simm.s32 $0x100;
	s16 =	simm.s32 $0x9F0;
	v4 =	vld.idx.msk [tilespmem:v4+s2+$0x0], $0xffff  }
.LBB2_4:
0x4f: {  	_ = 	snop  }
0x50: {  	p0 =	slt.u32 s17, $0x140;
	s15 =	sadd.s32 $0x40, s15;
	s18 =	sadd.s32 $0x40, s18;
	[tilespmem:s16+$0xFFFFFFD0] =	vst v6  }
0x51: {  	v7 =	vor.u32 s17, v0;
	s19 =	sadd.s32 $0x10, s17;
	s20 =	sadd.s32 $0x20, s17;
	s21 =	sadd.s32 $0x30, s17;
	v6 =	vld [tilespmem:s15+$0xFFFFFFD0];
	[tilespmem:s16+$0x0] =	vst v5  }
0x52: {  	s17 =	sadd.s32 $0x40, s17;
	v8 =	vor.u32 s20, v0;
	v9 =	vor.u32 s21, v0;
	v5 =	vor.u32 s19, v0;
	[tilespmem:s16+$0xFFFFFFF0] =	vst v3  }
0x53: {  	v3 =	vmulhi.u32 $0x51EB851F, v7;
	v7 =	vld [tilespmem:s15+$0xFFFFFFE0];
	[tilespmem:s16+$0xFFFFFFE0] =	vst v4;
	s16 =	smov.u32 s18  }
0x54: {  	v9 =	vmulhi.u32 $0x51EB851F, v9;
	v4 =	vld [tilespmem:s15+$0x0]  }
0x55: {  	v8 =	vmulhi.u32 $0x51EB851F, v8;
	v3 =	vshrl.u32 v3, $0x4;
	v10 =	vld [tilespmem:s15+$0xFFFFFFF0]  }
0x56: {  	v5 =	vmulhi.u32 $0x51EB851F, v5;
	v9 =	vshrl.u32 v9, $0x4;
	v3 =	vmul.u32 $0xE0, v3  }
0x57: {  	v8 =	vshrl.u32 v8, $0x4;
	v9 =	vmul.u32 $0xE0, v9  }
0x58: {  	v5 =	vshrl.u32 v5, $0x4;
	v3 =	vadd.s32 v3, v6;
	v6 =	vmul.u32 $0xE0, v8  }
0x59: {  	v5 =	vmul.u32 $0xE0, v5;
	v4 =	vadd.s32 v9, v4  }
0x5a: {  	v8 =	vadd.s32 v6, v10  }
0x5b: {  	v7 =	vadd.s32 v5, v7  }
.Ltmp1:
0x5c: {  	(pc) =	sbr.rel @p0 .LBB2_4-.Ltmp1, $4  }
0x5d: {  	v6 =	vld.idx.msk [tilespmem:v3+s2+$0x0], $0xffff  }
0x5e: {  	v5 =	vld.idx.msk [tilespmem:v4+s2+$0x0], $0xffff  }
0x5f: {  	v3 =	vld.idx.msk [tilespmem:v8+s2+$0x0], $0xffff  }
0x60: {  	v4 =	vld.idx.msk [tilespmem:v7+s2+$0x0], $0xffff  }
0x61: {  	_ = 	snop  }
0x62: {  	[tilespmem:s16+$0xFFFFFFD0] =	vst v6  }
0x63: {  	[tilespmem:s16+$0x0] =	vst v5  }
0x64: {  	[tilespmem:s16+$0xFFFFFFF0] =	vst v3  }
0x65: {  	[tilespmem:s16+$0xFFFFFFE0] =	vst v4  }
0x66: {  	v3 =	vld [tilespmem:$0x880];
	_ =	sdelay $0x4  }
0x67: {  	v3 =	vadd.s32 $0x620, v3;
	_ =	sdelay $0x4  }
0x68: {  	v3 =	vld.idx.msk [tilespmem:v3+s2+$0x0], $0xffff;
	_ =	sdelay $0x2  }
0x69: {  	s14 =	sadd.s32 $0x1, s14  }
0x6a: {  	p0 =	sne.s32 s14, s7  }
.Ltmp2:
0x6b: {  	[tilespmem:$0xA80] =	vst v3;
	(pc) =	sbr.rel @p0 .LBB2_1-.Ltmp2, $4  }
0x6c: {  	[hbm4b:s6+s2] =	stream.linear.scatter [tilespmem:s12], [sflag:$0x3], $0x190, $0x38;
	[tilespmem:$0xB00] =	vst v63  }
0x6d: {  	_ =	swait.ge [sflag:s13], $0x190  }
0x6e: {  	[sflag:s13] =	ssyncset.done $0x0  }
0x6f: {  	[sflag:s13] =	ssyncadd.s32 $0xFFFFFE70  }
0x70: {  	_ =	sfence.sel $0x180000  }
0x71: {  	[bflag:$0x0] =	sbarrier.arrive $0xFFFF  }
0x72: {  	p0 =	sne.s32 s0, $0x0;
	_ =	strace $0x90000047  }
0x73: {  	s0 =	sadd.s32 @!p0 $0x100000, s1;
	[bflag:$0x2] =	sbarrier.arrive $0xFFFF  }
0x74: {  	[sflag:s0] =	ssyncadd.tile.s32 @!p0 $0x1;
	_ =	shalt  }
.Lfunc_end2:
_tile_overlayer_lowered:
.L_overlay_start_2:
0x75: {  	(tag) =	ssettag $0x2  }
0x76: {  	s0 =	rddreg [dreg:$0x0];
	s2 =	stileid.u32  }
0x77: {  	s1 =	rddreg [dreg:$0x1];
	p0 =	sne.s32 s2, $0x0  }
0x78: {  	s3 =	rddreg [dreg:$0x2];
	[bflag:$0x3] =	sbarrier.arrive $0xFFFF;
	s2 =	simm.s32 @!p0 $0x1C03  }
0x79: {  	[timem:s3], [sflag:s2] =	dma.local @!p0 [hbm:s0], s1  }
0x7a: {  	s0 =	simm.s32 @!p0 $0x3  }
0x7b: {  	_ =	swait.ge @!p0 [sflag:s0], s1  }
0x7c: {  	s1 =	ssub.s32 @!p0 $0x0, s1;
	[sflag:s0] =	ssyncset.done @!p0 $0x0  }
0x7d: {  	[sflag:s0] =	ssyncadd.s32 @!p0 s1  }
0x7e: {  	[bflag:$0x3] =	sbarrier.arrive $0xFFFF  }
0x7f: {  	_ =	shalt  }

</sc_bundles>
